<compile_context>
chip_gen: v7x
topology: tpu7x:2x2x1
jax: 0.10.2.dev20260603
libtpu: 0.0.44.dev20260713+nightly
codegen_flags: <defaults>
</compile_context>

<pallas_src>
import jax
import jax.numpy as jnp
from jax import lax
from jax.experimental import pallas as pl
from jax.experimental.pallas import tpu as pltpu
from jax.experimental.pallas import tpu_sc as plsc

_NC, _NS, _LANES = 2, 16, 16
_NW = _NC * _NS


def kernel(input, embed_weight):
    L = input.shape[1]
    D = embed_weight.shape[1]
    per_w = L // _NW
    groups = per_w // _LANES
    idx = input.astype(jnp.int32)

    mesh = plsc.VectorSubcoreMesh(core_axis_name="c", subcore_axis_name="s")

    @pl.kernel(
        out_type=jax.ShapeDtypeStruct((D, 1, L), embed_weight.dtype),
        mesh=mesh,
        compiler_params=pltpu.CompilerParams(
            needs_layout_passes=False, skip_device_barrier=True
        ),
        scratch_types=[
            pltpu.VMEM(embed_weight.shape, embed_weight.dtype),
            pltpu.VMEM((per_w,), jnp.int32),
            pltpu.VMEM((D * per_w,), embed_weight.dtype),
            pltpu.SemaphoreType.DMA,
            pltpu.SemaphoreType.DMA,
        ],
    )
    def _embed_kernel(table_hbm, idx_hbm, out_hbm, table_v, idx_v, out_v,
                      sem_t, sem_i):
        wid = lax.axis_index("s") * _NC + lax.axis_index("c")
        base = wid * per_w
        c_t = pltpu.async_copy(table_hbm, table_v, sem_t)
        c_i = pltpu.async_copy(idx_hbm.at[0, pl.ds(base, per_w)], idx_v, sem_i)
        d_vec = [jnp.full((_LANES,), d, jnp.int32) for d in range(D)]
        c_i.wait()
        c_t.wait()

        @pl.loop(0, groups, step=2)
        def _(g):
            for k in range(2):
                rows = idx_v[pl.ds((g + k) * _LANES, _LANES)]
                for d in range(D):
                    vals = plsc.load_gather(table_v, [rows, d_vec[d]])
                    out_v[pl.ds(d * per_w + (g + k) * _LANES, _LANES)] = vals

        out_copies = [
            pltpu.async_copy(out_v.at[pl.ds(d * per_w, per_w)],
                             out_hbm.at[d, 0, pl.ds(base, per_w)],
                             sem_t)
            for d in range(D)
        ]
        for c in out_copies:
            c.wait()

    return jnp.transpose(_embed_kernel(embed_weight, idx), (1, 2, 0))

# --- scband reference (transcript-rebuilt; emitter-appended) ---
"""Pipeline reference for scband-my-embedding-20375324852333 (READ-ONLY COPY).

The authoritative reference and input builder live on the scoring server;
editing this copy changes nothing except your own understanding.
"""

import jax, jax.numpy as jnp
import numpy as np


def setup_inputs(seed: int = 0) -> dict:
    key = jax.random.key(seed)
    k1, k2 = jax.random.split(key)
    input_ids = jax.random.randint(k1, (1, 16384), 0, 6, dtype=jnp.int64)
    embed_weight = jax.random.normal(k2, (6, 7), dtype=jnp.float32)
    return {"input": input_ids, "embed_weight": embed_weight}


def reference(input, embed_weight):
    # Original torch forward:
    #   for i in input[0]: res.append(embed(i).view(1, -1))
    #   return torch.cat(res).unsqueeze_(0)
    # Each i is a scalar index -> embed(i) is [7], view(1,-1) -> [1,7];
    # cat over L -> [L,7]; unsqueeze(0) -> [1, L, 7].
    idx = input[0]                    # [L]
    gathered = jnp.take(embed_weight, idx, axis=0)  # [L, 7]
    return gathered[None, :, :]       # [1, L, 7]

if __name__ == "__main__":
    import jax
    _d = setup_inputs()
    print(jax.jit(kernel)(*tuple(_d.values())))

</pallas_src>

<mosaic_0001>
#map = affine_map<(d0, d1) -> (0, 0)>
#map1 = affine_map<(d0, d1) -> (0, 0, 0)>
module attributes {stable_mosaic.version = 14 : i64} {
  func.func @_embed_kernel(%arg0: i32, %arg1: i32, %arg2: memref<6x7xf32, #tpu.memory_space<hbm>>, %arg3: memref<1x16384xi32, #tpu.memory_space<hbm>>, %arg4: memref<7x1x16384xf32, #tpu.memory_space<hbm>>, %arg5: memref<6x7xf32, #tpu.memory_space<vmem>>, %arg6: memref<512xi32, #tpu.memory_space<vmem>>, %arg7: memref<3584xf32, #tpu.memory_space<vmem>>, %arg8: memref<!tpu.dma_semaphore, #tpu.memory_space<semaphore_mem>>, %arg9: memref<!tpu.dma_semaphore, #tpu.memory_space<semaphore_mem>>) attributes {dimension_semantics = [#tpu.dimension_semantics<core_parallel>, #tpu.dimension_semantics<subcore_parallel>], iteration_bounds = array<i64: 2, 16>, scalar_prefetch = 0 : i64, scratch_operands = 5 : i64, tpu.core_type = #tpu.core_type<sc_vector_subcore>, window_params = [{transform_indices = #map}, {transform_indices = #map}, {transform_indices = #map1}]} {
    %mul3A = arith.constant 2 : i32
    %mul3A_0 = arith.muli %arg1, %mul3A : i32
    %add3A = arith.addi %mul3A_0, %arg0 : i32
    %mul3A_1 = arith.constant 512 : i32
    %mul3A_2 = arith.muli %add3A, %mul3A_1 : i32
    tpu.enqueue_dma source(%arg2 : memref<6x7xf32, #tpu.memory_space<hbm>>) target(%arg5 : memref<6x7xf32, #tpu.memory_space<vmem>>) target_semaphore(%arg8 : memref<!tpu.dma_semaphore, #tpu.memory_space<semaphore_mem>>)
    %dma_start3A = arith.constant 0 : i32
    %dma_start3A_3 = tpu.memref_slice %arg3[%dma_start3A, %mul3A_2] : memref<1x16384xi32, #tpu.memory_space<hbm>> -> memref<1x512xi32, #tpu.memory_space<hbm>>
    %dma_start3A_4 = tpu.memref_squeeze %dma_start3A_3 : memref<1x512xi32, #tpu.memory_space<hbm>> -> memref<512xi32, #tpu.memory_space<hbm>>
    %dma_start3A_5 = tpu.memref_slice %arg3[%dma_start3A, %mul3A_2] : memref<1x16384xi32, #tpu.memory_space<hbm>> -> memref<1x512xi32, #tpu.memory_space<hbm>>
    %dma_start3A_6 = tpu.memref_squeeze %dma_start3A_5 : memref<1x512xi32, #tpu.memory_space<hbm>> -> memref<512xi32, #tpu.memory_space<hbm>>
    tpu.enqueue_dma source(%dma_start3A_6 : memref<512xi32, #tpu.memory_space<hbm>>) target(%arg6 : memref<512xi32, #tpu.memory_space<vmem>>) target_semaphore(%arg9 : memref<!tpu.dma_semaphore, #tpu.memory_space<semaphore_mem>>)
    %broadcast_in_dim3A = arith.constant 0 : i32
    %broadcast_in_dim3A_7 = vector.broadcast %broadcast_in_dim3A : i32 to vector<16xi32>
    %broadcast_in_dim3A_8 = arith.constant 1 : i32
    %broadcast_in_dim3A_9 = vector.broadcast %broadcast_in_dim3A_8 : i32 to vector<16xi32>
    %broadcast_in_dim3A_10 = arith.constant 2 : i32
    %broadcast_in_dim3A_11 = vector.broadcast %broadcast_in_dim3A_10 : i32 to vector<16xi32>
    %broadcast_in_dim3A_12 = arith.constant 3 : i32
    %broadcast_in_dim3A_13 = vector.broadcast %broadcast_in_dim3A_12 : i32 to vector<16xi32>
    %broadcast_in_dim3A_14 = arith.constant 4 : i32
    %broadcast_in_dim3A_15 = vector.broadcast %broadcast_in_dim3A_14 : i32 to vector<16xi32>
    %broadcast_in_dim3A_16 = arith.constant 5 : i32
    %broadcast_in_dim3A_17 = vector.broadcast %broadcast_in_dim3A_16 : i32 to vector<16xi32>
    %broadcast_in_dim3A_18 = arith.constant 6 : i32
    %broadcast_in_dim3A_19 = vector.broadcast %broadcast_in_dim3A_18 : i32 to vector<16xi32>
    %dma_wait3A = arith.constant 0 : i32
    %dma_wait3A_20 = tpu.memref_slice %arg3[%dma_wait3A, %mul3A_2] : memref<1x16384xi32, #tpu.memory_space<hbm>> -> memref<1x512xi32, #tpu.memory_space<hbm>>
    %dma_wait3A_21 = tpu.memref_squeeze %dma_wait3A_20 : memref<1x512xi32, #tpu.memory_space<hbm>> -> memref<512xi32, #tpu.memory_space<hbm>>
    %dma_wait3A_22 = tpu.memref_slice %arg3[%dma_wait3A, %mul3A_2] : memref<1x16384xi32, #tpu.memory_space<hbm>> -> memref<1x512xi32, #tpu.memory_space<hbm>>
    %dma_wait3A_23 = tpu.memref_squeeze %dma_wait3A_22 : memref<1x512xi32, #tpu.memory_space<hbm>> -> memref<512xi32, #tpu.memory_space<hbm>>
    tpu.wait_dma2 semaphore(%arg9 : memref<!tpu.dma_semaphore, #tpu.memory_space<semaphore_mem>>) src(%dma_wait3A_23 : memref<512xi32, #tpu.memory_space<hbm>>) dst(%arg6 : memref<512xi32, #tpu.memory_space<vmem>>)
    tpu.wait_dma2 semaphore(%arg8 : memref<!tpu.dma_semaphore, #tpu.memory_space<semaphore_mem>>) src(%arg2 : memref<6x7xf32, #tpu.memory_space<hbm>>) dst(%arg5 : memref<6x7xf32, #tpu.memory_space<vmem>>)
    %scan3A = arith.constant 0 : i32
    %scan3A_24 = arith.constant 16 : i32
    %scan3A_25 = arith.addi %scan3A, %scan3A_24 : i32
    %scan3A_26 = arith.constant 1 : i32
    scf.for %scan3A_168 = %scan3A to %scan3A_25 step %scan3A_26  : i32 {
      %mul3A_169 = arith.constant 2 : i32
      %mul3A_170 = arith.muli %scan3A_168, %mul3A_169 : i32
      %add3A_171 = arith.constant 0 : i32
      %add3A_172 = arith.addi %add3A_171, %mul3A_170 : i32
      %add3A_173 = arith.constant 0 : i32
      %add3A_174 = arith.addi %add3A_172, %add3A_173 : i32
      %mul3A_175 = arith.constant 16 : i32
      %mul3A_176 = arith.muli %add3A_174, %mul3A_175 : i32
      %get3A = arith.index_cast %mul3A_176 : i32 to index
      %get3A_177 = tpu.vector_load %arg6[%get3A] {strides = array<i32>} : memref<512xi32, #tpu.memory_space<vmem>>, vector<16xi32>,
      %gather3A = tpu.vector_load_idx %arg5[%get3A_177, %broadcast_in_dim3A_7] : memref<6x7xf32, #tpu.memory_space<vmem>>[vector<16xi32>, vector<16xi32>], vector<16xf32>,
      %add3A_178 = arith.constant 0 : i32
      %add3A_179 = arith.addi %add3A_172, %add3A_178 : i32
      %mul3A_180 = arith.constant 16 : i32
      %mul3A_181 = arith.muli %add3A_179, %mul3A_180 : i32
      %add3A_182 = arith.constant 0 : i32
      %add3A_183 = arith.addi %add3A_182, %mul3A_181 : i32
      %swap3A = arith.index_cast %add3A_183 : i32 to index
      %swap3A_184 = tpu.vector_load %arg7[%swap3A] {strides = array<i32>} : memref<3584xf32, #tpu.memory_space<vmem>>, vector<16xf32>,
      tpu.vector_store %arg7[%swap3A], %gather3A {strides = array<i32>} : memref<3584xf32, #tpu.memory_space<vmem>>, vector<16xf32>,
      %gather3A_185 = tpu.vector_load_idx %arg5[%get3A_177, %broadcast_in_dim3A_9] : memref<6x7xf32, #tpu.memory_space<vmem>>[vector<16xi32>, vector<16xi32>], vector<16xf32>,
      %add3A_186 = arith.constant 0 : i32
      %add3A_187 = arith.addi %add3A_172, %add3A_186 : i32
      %mul3A_188 = arith.constant 16 : i32
      %mul3A_189 = arith.muli %add3A_187, %mul3A_188 : i32
      %add3A_190 = arith.constant 512 : i32
      %add3A_191 = arith.addi %add3A_190, %mul3A_189 : i32
      %swap3A_192 = arith.index_cast %add3A_191 : i32 to index
      %swap3A_193 = tpu.vector_load %arg7[%swap3A_192] {strides = array<i32>} : memref<3584xf32, #tpu.memory_space<vmem>>, vector<16xf32>,
      tpu.vector_store %arg7[%swap3A_192], %gather3A_185 {strides = array<i32>} : memref<3584xf32, #tpu.memory_space<vmem>>, vector<16xf32>,
      %gather3A_194 = tpu.vector_load_idx %arg5[%get3A_177, %broadcast_in_dim3A_11] : memref<6x7xf32, #tpu.memory_space<vmem>>[vector<16xi32>, vector<16xi32>], vector<16xf32>,
      %add3A_195 = arith.constant 0 : i32
      %add3A_196 = arith.addi %add3A_172, %add3A_195 : i32
      %mul3A_197 = arith.constant 16 : i32
      %mul3A_198 = arith.muli %add3A_196, %mul3A_197 : i32
      %add3A_199 = arith.constant 1024 : i32
      %add3A_200 = arith.addi %add3A_199, %mul3A_198 : i32
      %swap3A_201 = arith.index_cast %add3A_200 : i32 to index
      %swap3A_202 = tpu.vector_load %arg7[%swap3A_201] {strides = array<i32>} : memref<3584xf32, #tpu.memory_space<vmem>>, vector<16xf32>,
      tpu.vector_store %arg7[%swap3A_201], %gather3A_194 {strides = array<i32>} : memref<3584xf32, #tpu.memory_space<vmem>>, vector<16xf32>,
      %gather3A_203 = tpu.vector_load_idx %arg5[%get3A_177, %broadcast_in_dim3A_13] : memref<6x7xf32, #tpu.memory_space<vmem>>[vector<16xi32>, vector<16xi32>], vector<16xf32>,
      %add3A_204 = arith.constant 0 : i32
      %add3A_205 = arith.addi %add3A_172, %add3A_204 : i32
      %mul3A_206 = arith.constant 16 : i32
      %mul3A_207 = arith.muli %add3A_205, %mul3A_206 : i32
      %add3A_208 = arith.constant 1536 : i32
      %add3A_209 = arith.addi %add3A_208, %mul3A_207 : i32
      %swap3A_210 = arith.index_cast %add3A_209 : i32 to index
      %swap3A_211 = tpu.vector_load %arg7[%swap3A_210] {strides = array<i32>} : memref<3584xf32, #tpu.memory_space<vmem>>, vector<16xf32>,
      tpu.vector_store %arg7[%swap3A_210], %gather3A_203 {strides = array<i32>} : memref<3584xf32, #tpu.memory_space<vmem>>, vector<16xf32>,
      %gather3A_212 = tpu.vector_load_idx %arg5[%get3A_177, %broadcast_in_dim3A_15] : memref<6x7xf32, #tpu.memory_space<vmem>>[vector<16xi32>, vector<16xi32>], vector<16xf32>,
      %add3A_213 = arith.constant 0 : i32
      %add3A_214 = arith.addi %add3A_172, %add3A_213 : i32
      %mul3A_215 = arith.constant 16 : i32
      %mul3A_216 = arith.muli %add3A_214, %mul3A_215 : i32
      %add3A_217 = arith.constant 2048 : i32
      %add3A_218 = arith.addi %add3A_217, %mul3A_216 : i32
      %swap3A_219 = arith.index_cast %add3A_218 : i32 to index
      %swap3A_220 = tpu.vector_load %arg7[%swap3A_219] {strides = array<i32>} : memref<3584xf32, #tpu.memory_space<vmem>>, vector<16xf32>,
      tpu.vector_store %arg7[%swap3A_219], %gather3A_212 {strides = array<i32>} : memref<3584xf32, #tpu.memory_space<vmem>>, vector<16xf32>,
      %gather3A_221 = tpu.vector_load_idx %arg5[%get3A_177, %broadcast_in_dim3A_17] : memref<6x7xf32, #tpu.memory_space<vmem>>[vector<16xi32>, vector<16xi32>], vector<16xf32>,
      %add3A_222 = arith.constant 0 : i32
      %add3A_223 = arith.addi %add3A_172, %add3A_222 : i32
      %mul3A_224 = arith.constant 16 : i32
      %mul3A_225 = arith.muli %add3A_223, %mul3A_224 : i32
      %add3A_226 = arith.constant 2560 : i32
      %add3A_227 = arith.addi %add3A_226, %mul3A_225 : i32
      %swap3A_228 = arith.index_cast %add3A_227 : i32 to index
      %swap3A_229 = tpu.vector_load %arg7[%swap3A_228] {strides = array<i32>} : memref<3584xf32, #tpu.memory_space<vmem>>, vector<16xf32>,
      tpu.vector_store %arg7[%swap3A_228], %gather3A_221 {strides = array<i32>} : memref<3584xf32, #tpu.memory_space<vmem>>, vector<16xf32>,
      %gather3A_230 = tpu.vector_load_idx %arg5[%get3A_177, %broadcast_in_dim3A_19] : memref<6x7xf32, #tpu.memory_space<vmem>>[vector<16xi32>, vector<16xi32>], vector<16xf32>,
      %add3A_231 = arith.constant 0 : i32
      %add3A_232 = arith.addi %add3A_172, %add3A_231 : i32
      %mul3A_233 = arith.constant 16 : i32
      %mul3A_234 = arith.muli %add3A_232, %mul3A_233 : i32
      %add3A_235 = arith.constant 3072 : i32
      %add3A_236 = arith.addi %add3A_235, %mul3A_234 : i32
      %swap3A_237 = arith.index_cast %add3A_236 : i32 to index
      %swap3A_238 = tpu.vector_load %arg7[%swap3A_237] {strides = array<i32>} : memref<3584xf32, #tpu.memory_space<vmem>>, vector<16xf32>,
      tpu.vector_store %arg7[%swap3A_237], %gather3A_230 {strides = array<i32>} : memref<3584xf32, #tpu.memory_space<vmem>>, vector<16xf32>,
      %add3A_239 = arith.constant 1 : i32
      %add3A_240 = arith.addi %add3A_172, %add3A_239 : i32
      %mul3A_241 = arith.constant 16 : i32
      %mul3A_242 = arith.muli %add3A_240, %mul3A_241 : i32
      %get3A_243 = arith.index_cast %mul3A_242 : i32 to index
      %get3A_244 = tpu.vector_load %arg6[%get3A_243] {strides = array<i32>} : memref<512xi32, #tpu.memory_space<vmem>>, vector<16xi32>,
      %gather3A_245 = tpu.vector_load_idx %arg5[%get3A_244, %broadcast_in_dim3A_7] : memref<6x7xf32, #tpu.memory_space<vmem>>[vector<16xi32>, vector<16xi32>], vector<16xf32>,
      %add3A_246 = arith.constant 1 : i32
      %add3A_247 = arith.addi %add3A_172, %add3A_246 : i32
      %mul3A_248 = arith.constant 16 : i32
      %mul3A_249 = arith.muli %add3A_247, %mul3A_248 : i32
      %add3A_250 = arith.constant 0 : i32
      %add3A_251 = arith.addi %add3A_250, %mul3A_249 : i32
      %swap3A_252 = arith.index_cast %add3A_251 : i32 to index
      %swap3A_253 = tpu.vector_load %arg7[%swap3A_252] {strides = array<i32>} : memref<3584xf32, #tpu.memory_space<vmem>>, vector<16xf32>,
      tpu.vector_store %arg7[%swap3A_252], %gather3A_245 {strides = array<i32>} : memref<3584xf32, #tpu.memory_space<vmem>>, vector<16xf32>,
      %gather3A_254 = tpu.vector_load_idx %arg5[%get3A_244, %broadcast_in_dim3A_9] : memref<6x7xf32, #tpu.memory_space<vmem>>[vector<16xi32>, vector<16xi32>], vector<16xf32>,
      %add3A_255 = arith.constant 1 : i32
      %add3A_256 = arith.addi %add3A_172, %add3A_255 : i32
      %mul3A_257 = arith.constant 16 : i32
      %mul3A_258 = arith.muli %add3A_256, %mul3A_257 : i32
      %add3A_259 = arith.constant 512 : i32
      %add3A_260 = arith.addi %add3A_259, %mul3A_258 : i32
      %swap3A_261 = arith.index_cast %add3A_260 : i32 to index
      %swap3A_262 = tpu.vector_load %arg7[%swap3A_261] {strides = array<i32>} : memref<3584xf32, #tpu.memory_space<vmem>>, vector<16xf32>,
      tpu.vector_store %arg7[%swap3A_261], %gather3A_254 {strides = array<i32>} : memref<3584xf32, #tpu.memory_space<vmem>>, vector<16xf32>,
      %gather3A_263 = tpu.vector_load_idx %arg5[%get3A_244, %broadcast_in_dim3A_11] : memref<6x7xf32, #tpu.memory_space<vmem>>[vector<16xi32>, vector<16xi32>], vector<16xf32>,
      %add3A_264 = arith.constant 1 : i32
      %add3A_265 = arith.addi %add3A_172, %add3A_264 : i32
      %mul3A_266 = arith.constant 16 : i32
      %mul3A_267 = arith.muli %add3A_265, %mul3A_266 : i32
      %add3A_268 = arith.constant 1024 : i32
      %add3A_269 = arith.addi %add3A_268, %mul3A_267 : i32
      %swap3A_270 = arith.index_cast %add3A_269 : i32 to index
      %swap3A_271 = tpu.vector_load %arg7[%swap3A_270] {strides = array<i32>} : memref<3584xf32, #tpu.memory_space<vmem>>, vector<16xf32>,
      tpu.vector_store %arg7[%swap3A_270], %gather3A_263 {strides = array<i32>} : memref<3584xf32, #tpu.memory_space<vmem>>, vector<16xf32>,
      %gather3A_272 = tpu.vector_load_idx %arg5[%get3A_244, %broadcast_in_dim3A_13] : memref<6x7xf32, #tpu.memory_space<vmem>>[vector<16xi32>, vector<16xi32>], vector<16xf32>,
      %add3A_273 = arith.constant 1 : i32
      %add3A_274 = arith.addi %add3A_172, %add3A_273 : i32
      %mul3A_275 = arith.constant 16 : i32
      %mul3A_276 = arith.muli %add3A_274, %mul3A_275 : i32
      %add3A_277 = arith.constant 1536 : i32
      %add3A_278 = arith.addi %add3A_277, %mul3A_276 : i32
      %swap3A_279 = arith.index_cast %add3A_278 : i32 to index
      %swap3A_280 = tpu.vector_load %arg7[%swap3A_279] {strides = array<i32>} : memref<3584xf32, #tpu.memory_space<vmem>>, vector<16xf32>,
      tpu.vector_store %arg7[%swap3A_279], %gather3A_272 {strides = array<i32>} : memref<3584xf32, #tpu.memory_space<vmem>>, vector<16xf32>,
      %gather3A_281 = tpu.vector_load_idx %arg5[%get3A_244, %broadcast_in_dim3A_15] : memref<6x7xf32, #tpu.memory_space<vmem>>[vector<16xi32>, vector<16xi32>], vector<16xf32>,
      %add3A_282 = arith.constant 1 : i32
      %add3A_283 = arith.addi %add3A_172, %add3A_282 : i32
      %mul3A_284 = arith.constant 16 : i32
      %mul3A_285 = arith.muli %add3A_283, %mul3A_284 : i32
      %add3A_286 = arith.constant 2048 : i32
      %add3A_287 = arith.addi %add3A_286, %mul3A_285 : i32
      %swap3A_288 = arith.index_cast %add3A_287 : i32 to index
      %swap3A_289 = tpu.vector_load %arg7[%swap3A_288] {strides = array<i32>} : memref<3584xf32, #tpu.memory_space<vmem>>, vector<16xf32>,
      tpu.vector_store %arg7[%swap3A_288], %gather3A_281 {strides = array<i32>} : memref<3584xf32, #tpu.memory_space<vmem>>, vector<16xf32>,
      %gather3A_290 = tpu.vector_load_idx %arg5[%get3A_244, %broadcast_in_dim3A_17] : memref<6x7xf32, #tpu.memory_space<vmem>>[vector<16xi32>, vector<16xi32>], vector<16xf32>,
      %add3A_291 = arith.constant 1 : i32
      %add3A_292 = arith.addi %add3A_172, %add3A_291 : i32
      %mul3A_293 = arith.constant 16 : i32
      %mul3A_294 = arith.muli %add3A_292, %mul3A_293 : i32
      %add3A_295 = arith.constant 2560 : i32
      %add3A_296 = arith.addi %add3A_295, %mul3A_294 : i32
      %swap3A_297 = arith.index_cast %add3A_296 : i32 to index
      %swap3A_298 = tpu.vector_load %arg7[%swap3A_297] {strides = array<i32>} : memref<3584xf32, #tpu.memory_space<vmem>>, vector<16xf32>,
      tpu.vector_store %arg7[%swap3A_297], %gather3A_290 {strides = array<i32>} : memref<3584xf32, #tpu.memory_space<vmem>>, vector<16xf32>,
      %gather3A_299 = tpu.vector_load_idx %arg5[%get3A_244, %broadcast_in_dim3A_19] : memref<6x7xf32, #tpu.memory_space<vmem>>[vector<16xi32>, vector<16xi32>], vector<16xf32>,
      %add3A_300 = arith.constant 1 : i32
      %add3A_301 = arith.addi %add3A_172, %add3A_300 : i32
      %mul3A_302 = arith.constant 16 : i32
      %mul3A_303 = arith.muli %add3A_301, %mul3A_302 : i32
      %add3A_304 = arith.constant 3072 : i32
      %add3A_305 = arith.addi %add3A_304, %mul3A_303 : i32
      %swap3A_306 = arith.index_cast %add3A_305 : i32 to index
      %swap3A_307 = tpu.vector_load %arg7[%swap3A_306] {strides = array<i32>} : memref<3584xf32, #tpu.memory_space<vmem>>, vector<16xf32>,
      tpu.vector_store %arg7[%swap3A_306], %gather3A_299 {strides = array<i32>} : memref<3584xf32, #tpu.memory_space<vmem>>, vector<16xf32>,
    }
    %scan3A_27 = arith.constant 16 : i32
    %dma_start3A_28 = arith.constant 0 : i32
    %dma_start3A_29 = arith.constant 0 : i32
    %dma_start3A_30 = arith.constant 0 : i32
    %dma_start3A_31 = tpu.memref_slice %arg7[%dma_start3A_30] : memref<3584xf32, #tpu.memory_space<vmem>> -> memref<512xf32, #tpu.memory_space<vmem>>
    %dma_start3A_32 = tpu.memref_slice %arg4[%dma_start3A_28, %dma_start3A_29, %mul3A_2] : memref<7x1x16384xf32, #tpu.memory_space<hbm>> -> memref<1x1x512xf32, #tpu.memory_space<hbm>>
    %dma_start3A_33 = tpu.memref_squeeze %dma_start3A_32 : memref<1x1x512xf32, #tpu.memory_space<hbm>> -> memref<512xf32, #tpu.memory_space<hbm>>
    %dma_start3A_34 = tpu.memref_slice %arg4[%dma_start3A_28, %dma_start3A_29, %mul3A_2] : memref<7x1x16384xf32, #tpu.memory_space<hbm>> -> memref<1x1x512xf32, #tpu.memory_space<hbm>>
    %dma_start3A_35 = tpu.memref_squeeze %dma_start3A_34 : memref<1x1x512xf32, #tpu.memory_space<hbm>> -> memref<512xf32, #tpu.memory_space<hbm>>
    %dma_start3A_36 = arith.constant 0 : i32
    %dma_start3A_37 = tpu.memref_slice %arg7[%dma_start3A_36] : memref<3584xf32, #tpu.memory_space<vmem>> -> memref<512xf32, #tpu.memory_space<vmem>>
    tpu.enqueue_dma source(%dma_start3A_37 : memref<512xf32, #tpu.memory_space<vmem>>) target(%dma_start3A_35 : memref<512xf32, #tpu.memory_space<hbm>>) target_semaphore(%arg8 : memref<!tpu.dma_semaphore, #tpu.memory_space<semaphore_mem>>)
    %dma_start3A_38 = arith.constant 1 : i32
    %dma_start3A_39 = arith.constant 0 : i32
    %dma_start3A_40 = arith.constant 512 : i32
    %dma_start3A_41 = tpu.memref_slice %arg7[%dma_start3A_40] : memref<3584xf32, #tpu.memory_space<vmem>> -> memref<512xf32, #tpu.memory_space<vmem>>
    %dma_start3A_42 = tpu.memref_slice %arg4[%dma_start3A_38, %dma_start3A_39, %mul3A_2] : memref<7x1x16384xf32, #tpu.memory_space<hbm>> -> memref<1x1x512xf32, #tpu.memory_space<hbm>>
    %dma_start3A_43 = tpu.memref_squeeze %dma_start3A_42 : memref<1x1x512xf32, #tpu.memory_space<hbm>> -> memref<512xf32, #tpu.memory_space<hbm>>
    %dma_start3A_44 = tpu.memref_slice %arg4[%dma_start3A_38, %dma_start3A_39, %mul3A_2] : memref<7x1x16384xf32, #tpu.memory_space<hbm>> -> memref<1x1x512xf32, #tpu.memory_space<hbm>>
    %dma_start3A_45 = tpu.memref_squeeze %dma_start3A_44 : memref<1x1x512xf32, #tpu.memory_space<hbm>> -> memref<512xf32, #tpu.memory_space<hbm>>
    %dma_start3A_46 = arith.constant 512 : i32
    %dma_start3A_47 = tpu.memref_slice %arg7[%dma_start3A_46] : memref<3584xf32, #tpu.memory_space<vmem>> -> memref<512xf32, #tpu.memory_space<vmem>>
    tpu.enqueue_dma source(%dma_start3A_47 : memref<512xf32, #tpu.memory_space<vmem>>) target(%dma_start3A_45 : memref<512xf32, #tpu.memory_space<hbm>>) target_semaphore(%arg8 : memref<!tpu.dma_semaphore, #tpu.memory_space<semaphore_mem>>)
    %dma_start3A_48 = arith.constant 2 : i32
    %dma_start3A_49 = arith.constant 0 : i32
    %dma_start3A_50 = arith.constant 1024 : i32
    %dma_start3A_51 = tpu.memref_slice %arg7[%dma_start3A_50] : memref<3584xf32, #tpu.memory_space<vmem>> -> memref<512xf32, #tpu.memory_space<vmem>>
    %dma_start3A_52 = tpu.memref_slice %arg4[%dma_start3A_48, %dma_start3A_49, %mul3A_2] : memref<7x1x16384xf32, #tpu.memory_space<hbm>> -> memref<1x1x512xf32, #tpu.memory_space<hbm>>
    %dma_start3A_53 = tpu.memref_squeeze %dma_start3A_52 : memref<1x1x512xf32, #tpu.memory_space<hbm>> -> memref<512xf32, #tpu.memory_space<hbm>>
    %dma_start3A_54 = tpu.memref_slice %arg4[%dma_start3A_48, %dma_start3A_49, %mul3A_2] : memref<7x1x16384xf32, #tpu.memory_space<hbm>> -> memref<1x1x512xf32, #tpu.memory_space<hbm>>
    %dma_start3A_55 = tpu.memref_squeeze %dma_start3A_54 : memref<1x1x512xf32, #tpu.memory_space<hbm>> -> memref<512xf32, #tpu.memory_space<hbm>>
    %dma_start3A_56 = arith.constant 1024 : i32
    %dma_start3A_57 = tpu.memref_slice %arg7[%dma_start3A_56] : memref<3584xf32, #tpu.memory_space<vmem>> -> memref<512xf32, #tpu.memory_space<vmem>>
    tpu.enqueue_dma source(%dma_start3A_57 : memref<512xf32, #tpu.memory_space<vmem>>) target(%dma_start3A_55 : memref<512xf32, #tpu.memory_space<hbm>>) target_semaphore(%arg8 : memref<!tpu.dma_semaphore, #tpu.memory_space<semaphore_mem>>)
    %dma_start3A_58 = arith.constant 3 : i32
    %dma_start3A_59 = arith.constant 0 : i32
    %dma_start3A_60 = arith.constant 1536 : i32
    %dma_start3A_61 = tpu.memref_slice %arg7[%dma_start3A_60] : memref<3584xf32, #tpu.memory_space<vmem>> -> memref<512xf32, #tpu.memory_space<vmem>>
    %dma_start3A_62 = tpu.memref_slice %arg4[%dma_start3A_58, %dma_start3A_59, %mul3A_2] : memref<7x1x16384xf32, #tpu.memory_space<hbm>> -> memref<1x1x512xf32, #tpu.memory_space<hbm>>
    %dma_start3A_63 = tpu.memref_squeeze %dma_start3A_62 : memref<1x1x512xf32, #tpu.memory_space<hbm>> -> memref<512xf32, #tpu.memory_space<hbm>>
    %dma_start3A_64 = tpu.memref_slice %arg4[%dma_start3A_58, %dma_start3A_59, %mul3A_2] : memref<7x1x16384xf32, #tpu.memory_space<hbm>> -> memref<1x1x512xf32, #tpu.memory_space<hbm>>
    %dma_start3A_65 = tpu.memref_squeeze %dma_start3A_64 : memref<1x1x512xf32, #tpu.memory_space<hbm>> -> memref<512xf32, #tpu.memory_space<hbm>>
    %dma_start3A_66 = arith.constant 1536 : i32
    %dma_start3A_67 = tpu.memref_slice %arg7[%dma_start3A_66] : memref<3584xf32, #tpu.memory_space<vmem>> -> memref<512xf32, #tpu.memory_space<vmem>>
    tpu.enqueue_dma source(%dma_start3A_67 : memref<512xf32, #tpu.memory_space<vmem>>) target(%dma_start3A_65 : memref<512xf32, #tpu.memory_space<hbm>>) target_semaphore(%arg8 : memref<!tpu.dma_semaphore, #tpu.memory_space<semaphore_mem>>)
    %dma_start3A_68 = arith.constant 4 : i32
    %dma_start3A_69 = arith.constant 0 : i32
    %dma_start3A_70 = arith.constant 2048 : i32
    %dma_start3A_71 = tpu.memref_slice %arg7[%dma_start3A_70] : memref<3584xf32, #tpu.memory_space<vmem>> -> memref<512xf32, #tpu.memory_space<vmem>>
    %dma_start3A_72 = tpu.memref_slice %arg4[%dma_start3A_68, %dma_start3A_69, %mul3A_2] : memref<7x1x16384xf32, #tpu.memory_space<hbm>> -> memref<1x1x512xf32, #tpu.memory_space<hbm>>
    %dma_start3A_73 = tpu.memref_squeeze %dma_start3A_72 : memref<1x1x512xf32, #tpu.memory_space<hbm>> -> memref<512xf32, #tpu.memory_space<hbm>>
    %dma_start3A_74 = tpu.memref_slice %arg4[%dma_start3A_68, %dma_start3A_69, %mul3A_2] : memref<7x1x16384xf32, #tpu.memory_space<hbm>> -> memref<1x1x512xf32, #tpu.memory_space<hbm>>
    %dma_start3A_75 = tpu.memref_squeeze %dma_start3A_74 : memref<1x1x512xf32, #tpu.memory_space<hbm>> -> memref<512xf32, #tpu.memory_space<hbm>>
    %dma_start3A_76 = arith.constant 2048 : i32
    %dma_start3A_77 = tpu.memref_slice %arg7[%dma_start3A_76] : memref<3584xf32, #tpu.memory_space<vmem>> -> memref<512xf32, #tpu.memory_space<vmem>>
    tpu.enqueue_dma source(%dma_start3A_77 : memref<512xf32, #tpu.memory_space<vmem>>) target(%dma_start3A_75 : memref<512xf32, #tpu.memory_space<hbm>>) target_semaphore(%arg8 : memref<!tpu.dma_semaphore, #tpu.memory_space<semaphore_mem>>)
    %dma_start3A_78 = arith.constant 5 : i32
    %dma_start3A_79 = arith.constant 0 : i32
    %dma_start3A_80 = arith.constant 2560 : i32
    %dma_start3A_81 = tpu.memref_slice %arg7[%dma_start3A_80] : memref<3584xf32, #tpu.memory_space<vmem>> -> memref<512xf32, #tpu.memory_space<vmem>>
    %dma_start3A_82 = tpu.memref_slice %arg4[%dma_start3A_78, %dma_start3A_79, %mul3A_2] : memref<7x1x16384xf32, #tpu.memory_space<hbm>> -> memref<1x1x512xf32, #tpu.memory_space<hbm>>
    %dma_start3A_83 = tpu.memref_squeeze %dma_start3A_82 : memref<1x1x512xf32, #tpu.memory_space<hbm>> -> memref<512xf32, #tpu.memory_space<hbm>>
    %dma_start3A_84 = tpu.memref_slice %arg4[%dma_start3A_78, %dma_start3A_79, %mul3A_2] : memref<7x1x16384xf32, #tpu.memory_space<hbm>> -> memref<1x1x512xf32, #tpu.memory_space<hbm>>
    %dma_start3A_85 = tpu.memref_squeeze %dma_start3A_84 : memref<1x1x512xf32, #tpu.memory_space<hbm>> -> memref<512xf32, #tpu.memory_space<hbm>>
    %dma_start3A_86 = arith.constant 2560 : i32
    %dma_start3A_87 = tpu.memref_slice %arg7[%dma_start3A_86] : memref<3584xf32, #tpu.memory_space<vmem>> -> memref<512xf32, #tpu.memory_space<vmem>>
    tpu.enqueue_dma source(%dma_start3A_87 : memref<512xf32, #tpu.memory_space<vmem>>) target(%dma_start3A_85 : memref<512xf32, #tpu.memory_space<hbm>>) target_semaphore(%arg8 : memref<!tpu.dma_semaphore, #tpu.memory_space<semaphore_mem>>)
    %dma_start3A_88 = arith.constant 6 : i32
    %dma_start3A_89 = arith.constant 0 : i32
    %dma_start3A_90 = arith.constant 3072 : i32
    %dma_start3A_91 = tpu.memref_slice %arg7[%dma_start3A_90] : memref<3584xf32, #tpu.memory_space<vmem>> -> memref<512xf32, #tpu.memory_space<vmem>>
    %dma_start3A_92 = tpu.memref_slice %arg4[%dma_start3A_88, %dma_start3A_89, %mul3A_2] : memref<7x1x16384xf32, #tpu.memory_space<hbm>> -> memref<1x1x512xf32, #tpu.memory_space<hbm>>
    %dma_start3A_93 = tpu.memref_squeeze %dma_start3A_92 : memref<1x1x512xf32, #tpu.memory_space<hbm>> -> memref<512xf32, #tpu.memory_space<hbm>>
    %dma_start3A_94 = tpu.memref_slice %arg4[%dma_start3A_88, %dma_start3A_89, %mul3A_2] : memref<7x1x16384xf32, #tpu.memory_space<hbm>> -> memref<1x1x512xf32, #tpu.memory_space<hbm>>
    %dma_start3A_95 = tpu.memref_squeeze %dma_start3A_94 : memref<1x1x512xf32, #tpu.memory_space<hbm>> -> memref<512xf32, #tpu.memory_space<hbm>>
    %dma_start3A_96 = arith.constant 3072 : i32
    %dma_start3A_97 = tpu.memref_slice %arg7[%dma_start3A_96] : memref<3584xf32, #tpu.memory_space<vmem>> -> memref<512xf32, #tpu.memory_space<vmem>>
    tpu.enqueue_dma source(%dma_start3A_97 : memref<512xf32, #tpu.memory_space<vmem>>) target(%dma_start3A_95 : memref<512xf32, #tpu.memory_space<hbm>>) target_semaphore(%arg8 : memref<!tpu.dma_semaphore, #tpu.memory_space<semaphore_mem>>)
    %dma_wait3A_98 = arith.constant 0 : i32
    %dma_wait3A_99 = arith.constant 0 : i32
    %dma_wait3A_100 = arith.constant 0 : i32
    %dma_wait3A_101 = tpu.memref_slice %arg7[%dma_wait3A_100] : memref<3584xf32, #tpu.memory_space<vmem>> -> memref<512xf32, #tpu.memory_space<vmem>>
    %dma_wait3A_102 = tpu.memref_slice %arg4[%dma_wait3A_98, %dma_wait3A_99, %mul3A_2] : memref<7x1x16384xf32, #tpu.memory_space<hbm>> -> memref<1x1x512xf32, #tpu.memory_space<hbm>>
    %dma_wait3A_103 = tpu.memref_squeeze %dma_wait3A_102 : memref<1x1x512xf32, #tpu.memory_space<hbm>> -> memref<512xf32, #tpu.memory_space<hbm>>
    %dma_wait3A_104 = tpu.memref_slice %arg4[%dma_wait3A_98, %dma_wait3A_99, %mul3A_2] : memref<7x1x16384xf32, #tpu.memory_space<hbm>> -> memref<1x1x512xf32, #tpu.memory_space<hbm>>
    %dma_wait3A_105 = tpu.memref_squeeze %dma_wait3A_104 : memref<1x1x512xf32, #tpu.memory_space<hbm>> -> memref<512xf32, #tpu.memory_space<hbm>>
    %dma_wait3A_106 = arith.constant 0 : i32
    %dma_wait3A_107 = tpu.memref_slice %arg7[%dma_wait3A_106] : memref<3584xf32, #tpu.memory_space<vmem>> -> memref<512xf32, #tpu.memory_space<vmem>>
    tpu.wait_dma2 semaphore(%arg8 : memref<!tpu.dma_semaphore, #tpu.memory_space<semaphore_mem>>) src(%dma_wait3A_107 : memref<512xf32, #tpu.memory_space<vmem>>) dst(%dma_wait3A_105 : memref<512xf32, #tpu.memory_space<hbm>>)
    %dma_wait3A_108 = arith.constant 1 : i32
    %dma_wait3A_109 = arith.constant 0 : i32
    %dma_wait3A_110 = arith.constant 512 : i32
    %dma_wait3A_111 = tpu.memref_slice %arg7[%dma_wait3A_110] : memref<3584xf32, #tpu.memory_space<vmem>> -> memref<512xf32, #tpu.memory_space<vmem>>
    %dma_wait3A_112 = tpu.memref_slice %arg4[%dma_wait3A_108, %dma_wait3A_109, %mul3A_2] : memref<7x1x16384xf32, #tpu.memory_space<hbm>> -> memref<1x1x512xf32, #tpu.memory_space<hbm>>
    %dma_wait3A_113 = tpu.memref_squeeze %dma_wait3A_112 : memref<1x1x512xf32, #tpu.memory_space<hbm>> -> memref<512xf32, #tpu.memory_space<hbm>>
    %dma_wait3A_114 = tpu.memref_slice %arg4[%dma_wait3A_108, %dma_wait3A_109, %mul3A_2] : memref<7x1x16384xf32, #tpu.memory_space<hbm>> -> memref<1x1x512xf32, #tpu.memory_space<hbm>>
    %dma_wait3A_115 = tpu.memref_squeeze %dma_wait3A_114 : memref<1x1x512xf32, #tpu.memory_space<hbm>> -> memref<512xf32, #tpu.memory_space<hbm>>
    %dma_wait3A_116 = arith.constant 512 : i32
    %dma_wait3A_117 = tpu.memref_slice %arg7[%dma_wait3A_116] : memref<3584xf32, #tpu.memory_space<vmem>> -> memref<512xf32, #tpu.memory_space<vmem>>
    tpu.wait_dma2 semaphore(%arg8 : memref<!tpu.dma_semaphore, #tpu.memory_space<semaphore_mem>>) src(%dma_wait3A_117 : memref<512xf32, #tpu.memory_space<vmem>>) dst(%dma_wait3A_115 : memref<512xf32, #tpu.memory_space<hbm>>)
    %dma_wait3A_118 = arith.constant 2 : i32
    %dma_wait3A_119 = arith.constant 0 : i32
    %dma_wait3A_120 = arith.constant 1024 : i32
    %dma_wait3A_121 = tpu.memref_slice %arg7[%dma_wait3A_120] : memref<3584xf32, #tpu.memory_space<vmem>> -> memref<512xf32, #tpu.memory_space<vmem>>
    %dma_wait3A_122 = tpu.memref_slice %arg4[%dma_wait3A_118, %dma_wait3A_119, %mul3A_2] : memref<7x1x16384xf32, #tpu.memory_space<hbm>> -> memref<1x1x512xf32, #tpu.memory_space<hbm>>
    %dma_wait3A_123 = tpu.memref_squeeze %dma_wait3A_122 : memref<1x1x512xf32, #tpu.memory_space<hbm>> -> memref<512xf32, #tpu.memory_space<hbm>>
    %dma_wait3A_124 = tpu.memref_slice %arg4[%dma_wait3A_118, %dma_wait3A_119, %mul3A_2] : memref<7x1x16384xf32, #tpu.memory_space<hbm>> -> memref<1x1x512xf32, #tpu.memory_space<hbm>>
    %dma_wait3A_125 = tpu.memref_squeeze %dma_wait3A_124 : memref<1x1x512xf32, #tpu.memory_space<hbm>> -> memref<512xf32, #tpu.memory_space<hbm>>
    %dma_wait3A_126 = arith.constant 1024 : i32
    %dma_wait3A_127 = tpu.memref_slice %arg7[%dma_wait3A_126] : memref<3584xf32, #tpu.memory_space<vmem>> -> memref<512xf32, #tpu.memory_space<vmem>>
    tpu.wait_dma2 semaphore(%arg8 : memref<!tpu.dma_semaphore, #tpu.memory_space<semaphore_mem>>) src(%dma_wait3A_127 : memref<512xf32, #tpu.memory_space<vmem>>) dst(%dma_wait3A_125 : memref<512xf32, #tpu.memory_space<hbm>>)
    %dma_wait3A_128 = arith.constant 3 : i32
    %dma_wait3A_129 = arith.constant 0 : i32
    %dma_wait3A_130 = arith.constant 1536 : i32
    %dma_wait3A_131 = tpu.memref_slice %arg7[%dma_wait3A_130] : memref<3584xf32, #tpu.memory_space<vmem>> -> memref<512xf32, #tpu.memory_space<vmem>>
    %dma_wait3A_132 = tpu.memref_slice %arg4[%dma_wait3A_128, %dma_wait3A_129, %mul3A_2] : memref<7x1x16384xf32, #tpu.memory_space<hbm>> -> memref<1x1x512xf32, #tpu.memory_space<hbm>>
    %dma_wait3A_133 = tpu.memref_squeeze %dma_wait3A_132 : memref<1x1x512xf32, #tpu.memory_space<hbm>> -> memref<512xf32, #tpu.memory_space<hbm>>
    %dma_wait3A_134 = tpu.memref_slice %arg4[%dma_wait3A_128, %dma_wait3A_129, %mul3A_2] : memref<7x1x16384xf32, #tpu.memory_space<hbm>> -> memref<1x1x512xf32, #tpu.memory_space<hbm>>
    %dma_wait3A_135 = tpu.memref_squeeze %dma_wait3A_134 : memref<1x1x512xf32, #tpu.memory_space<hbm>> -> memref<512xf32, #tpu.memory_space<hbm>>
    %dma_wait3A_136 = arith.constant 1536 : i32
    %dma_wait3A_137 = tpu.memref_slice %arg7[%dma_wait3A_136] : memref<3584xf32, #tpu.memory_space<vmem>> -> memref<512xf32, #tpu.memory_space<vmem>>
    tpu.wait_dma2 semaphore(%arg8 : memref<!tpu.dma_semaphore, #tpu.memory_space<semaphore_mem>>) src(%dma_wait3A_137 : memref<512xf32, #tpu.memory_space<vmem>>) dst(%dma_wait3A_135 : memref<512xf32, #tpu.memory_space<hbm>>)
    %dma_wait3A_138 = arith.constant 4 : i32
    %dma_wait3A_139 = arith.constant 0 : i32
    %dma_wait3A_140 = arith.constant 2048 : i32
    %dma_wait3A_141 = tpu.memref_slice %arg7[%dma_wait3A_140] : memref<3584xf32, #tpu.memory_space<vmem>> -> memref<512xf32, #tpu.memory_space<vmem>>
    %dma_wait3A_142 = tpu.memref_slice %arg4[%dma_wait3A_138, %dma_wait3A_139, %mul3A_2] : memref<7x1x16384xf32, #tpu.memory_space<hbm>> -> memref<1x1x512xf32, #tpu.memory_space<hbm>>
    %dma_wait3A_143 = tpu.memref_squeeze %dma_wait3A_142 : memref<1x1x512xf32, #tpu.memory_space<hbm>> -> memref<512xf32, #tpu.memory_space<hbm>>
    %dma_wait3A_144 = tpu.memref_slice %arg4[%dma_wait3A_138, %dma_wait3A_139, %mul3A_2] : memref<7x1x16384xf32, #tpu.memory_space<hbm>> -> memref<1x1x512xf32, #tpu.memory_space<hbm>>
    %dma_wait3A_145 = tpu.memref_squeeze %dma_wait3A_144 : memref<1x1x512xf32, #tpu.memory_space<hbm>> -> memref<512xf32, #tpu.memory_space<hbm>>
    %dma_wait3A_146 = arith.constant 2048 : i32
    %dma_wait3A_147 = tpu.memref_slice %arg7[%dma_wait3A_146] : memref<3584xf32, #tpu.memory_space<vmem>> -> memref<512xf32, #tpu.memory_space<vmem>>
    tpu.wait_dma2 semaphore(%arg8 : memref<!tpu.dma_semaphore, #tpu.memory_space<semaphore_mem>>) src(%dma_wait3A_147 : memref<512xf32, #tpu.memory_space<vmem>>) dst(%dma_wait3A_145 : memref<512xf32, #tpu.memory_space<hbm>>)
    %dma_wait3A_148 = arith.constant 5 : i32
    %dma_wait3A_149 = arith.constant 0 : i32
    %dma_wait3A_150 = arith.constant 2560 : i32
    %dma_wait3A_151 = tpu.memref_slice %arg7[%dma_wait3A_150] : memref<3584xf32, #tpu.memory_space<vmem>> -> memref<512xf32, #tpu.memory_space<vmem>>
    %dma_wait3A_152 = tpu.memref_slice %arg4[%dma_wait3A_148, %dma_wait3A_149, %mul3A_2] : memref<7x1x16384xf32, #tpu.memory_space<hbm>> -> memref<1x1x512xf32, #tpu.memory_space<hbm>>
    %dma_wait3A_153 = tpu.memref_squeeze %dma_wait3A_152 : memref<1x1x512xf32, #tpu.memory_space<hbm>> -> memref<512xf32, #tpu.memory_space<hbm>>
    %dma_wait3A_154 = tpu.memref_slice %arg4[%dma_wait3A_148, %dma_wait3A_149, %mul3A_2] : memref<7x1x16384xf32, #tpu.memory_space<hbm>> -> memref<1x1x512xf32, #tpu.memory_space<hbm>>
    %dma_wait3A_155 = tpu.memref_squeeze %dma_wait3A_154 : memref<1x1x512xf32, #tpu.memory_space<hbm>> -> memref<512xf32, #tpu.memory_space<hbm>>
    %dma_wait3A_156 = arith.constant 2560 : i32
    %dma_wait3A_157 = tpu.memref_slice %arg7[%dma_wait3A_156] : memref<3584xf32, #tpu.memory_space<vmem>> -> memref<512xf32, #tpu.memory_space<vmem>>
    tpu.wait_dma2 semaphore(%arg8 : memref<!tpu.dma_semaphore, #tpu.memory_space<semaphore_mem>>) src(%dma_wait3A_157 : memref<512xf32, #tpu.memory_space<vmem>>) dst(%dma_wait3A_155 : memref<512xf32, #tpu.memory_space<hbm>>)
    %dma_wait3A_158 = arith.constant 6 : i32
    %dma_wait3A_159 = arith.constant 0 : i32
    %dma_wait3A_160 = arith.constant 3072 : i32
    %dma_wait3A_161 = tpu.memref_slice %arg7[%dma_wait3A_160] : memref<3584xf32, #tpu.memory_space<vmem>> -> memref<512xf32, #tpu.memory_space<vmem>>
    %dma_wait3A_162 = tpu.memref_slice %arg4[%dma_wait3A_158, %dma_wait3A_159, %mul3A_2] : memref<7x1x16384xf32, #tpu.memory_space<hbm>> -> memref<1x1x512xf32, #tpu.memory_space<hbm>>
    %dma_wait3A_163 = tpu.memref_squeeze %dma_wait3A_162 : memref<1x1x512xf32, #tpu.memory_space<hbm>> -> memref<512xf32, #tpu.memory_space<hbm>>
    %dma_wait3A_164 = tpu.memref_slice %arg4[%dma_wait3A_158, %dma_wait3A_159, %mul3A_2] : memref<7x1x16384xf32, #tpu.memory_space<hbm>> -> memref<1x1x512xf32, #tpu.memory_space<hbm>>
    %dma_wait3A_165 = tpu.memref_squeeze %dma_wait3A_164 : memref<1x1x512xf32, #tpu.memory_space<hbm>> -> memref<512xf32, #tpu.memory_space<hbm>>
    %dma_wait3A_166 = arith.constant 3072 : i32
    %dma_wait3A_167 = tpu.memref_slice %arg7[%dma_wait3A_166] : memref<3584xf32, #tpu.memory_space<vmem>> -> memref<512xf32, #tpu.memory_space<vmem>>
    tpu.wait_dma2 semaphore(%arg8 : memref<!tpu.dma_semaphore, #tpu.memory_space<semaphore_mem>>) src(%dma_wait3A_167 : memref<512xf32, #tpu.memory_space<vmem>>) dst(%dma_wait3A_165 : memref<512xf32, #tpu.memory_space<hbm>>)
    return
  }
}

</mosaic_0001>

<sc_bundles>
// kernel: kernel.3.cloned.1.call-start
scs
__scs_entry_jumppad:
0x0: {  	(pc) =	sbr.rel $0x88, $3  }
0x1: {  	(tag) =	ssettag $0x0;
	lr =	simm.s32 $0x1  }
0x2: {  	[smem:$0x3F9F] =	sst lr;
	_ =	strace $0xD0000000  }
0x3: {  	_ = 	snop  }
0x4: {  	_ = 	snop  }
0x5: {  	_ = 	snop  }
0x6: {  	_ = 	snop  }
0x7: {  	_ = 	snop  }
__scs_overlays_trampoline_lowered:
0x8: {  	[smem:$0x3FAE] =	sst s0  }
0x9: {  	[smem:$0x3FAF] =	sst s1  }
0xa: {  	[smem:$0x3FB0] =	sst s2  }
0xb: {  	[smem:$0x3FB1] =	sst s3  }
0xc: {  	[smem:$0x3FB2] =	sst s4  }
0xd: {  	[smem:$0x3FB3] =	sst s5  }
0xe: {  	[smem:$0x3FB4] =	sst s6  }
0xf: {  	[smem:$0x3FB5] =	sst s7  }
0x10: {  	[smem:$0x3FB6] =	sst s8  }
0x11: {  	[smem:$0x3FB7] =	sst s9;
	s0 =	simm.s32 @!p0 $0x0  }
0x12: {  	s1 =	sld [smem:$0x3F9D];
	s0 =	simm.s32 @p0 $0x1  }
0x13: {  	[smem:$0x3FB8] =	sst s0;
	s0 =	simm.s32 @!p1 $0x0  }
0x14: {  	s2 =	sld [smem:$0x3F9C];
	s0 =	simm.s32 @p1 $0x1  }
0x15: {  	[smem:$0x3FB9] =	sst s0;
	s0 =	simm.s32 @!p2 $0x0  }
0x16: {  	s3 =	sld [smem:$0x3FDB];
	s0 =	simm.s32 @p2 $0x1  }
0x17: {  	s4 =	simm.s32 $0x1BF5;
	[smem:$0x3FBB] =	sst s0  }
0x18: {  	s0 =	sld [smem:$0x3F9E];
	_ =	swait.ge [sflag:s4], $0x0  }
0x19: {  	s7 =	sld [smem:$0x3F9F]  }
0x1a: {  	s8 =	sadd.s32 $0xFFFFE003, lr  }
0x1b: {  	s9 =	sadd.s32 $0xFFFFFEF7, lr;
	s5 =	simm.s32 $0xFFFFFFFF;
	p2 =	slt.u32 s8, $0xFFFFF086  }
0x1c: {  	p1 =	slt.u32 s9, $0xF7A;
	s5 =	simm.s32 @!p2 $0x0  }
0x1d: {  	s5 =	simm.s32 @p1 $0x1;
	p0 =	seq.s32 s7, s2  }
0x1e: {  	s7 =	smul.u32 @!p0 $0xF7A, s2;
	p2 =	seq.s32 @!p0 s5, $0x0  }
0x1f: {  	s9 =	smul.u32 $0xF7A, s1;
	s8 =	simm.s32 @!p0 $0x1BF5;
	p2 =	por !p2, p0  }
0x20: {  	[sflag:s8] =	ssyncset.s32 @!p0 $0xFFFFF086;
	s6 =	sadd.s32 @!p0 s3, s7;
	s7 =	simm.s32 @!p0 $0x108  }
0x21: {  	s3 =	sadd.s32 s3, s9;
	s6 =	sadd.s32 @!p0 $0x88, s6;
	s7 =	simm.s32 @p2 $0x1082  }
0x22: {  	[simem:s7], [sflag:s8] =	dma.local @!p0 [hbm:s6], $0xF7A  }
0x23: {  	s9 =	sor.u32 $0xD0000000, s2;
	s6 =	simm.s32 $0x108;
	_ =	swait.ge @!p0 [sflag:s8], $0x0  }
0x24: {  	s3 =	sadd.s32 $0x88, s3;
	s6 =	simm.s32 @!p1 $0x1082;
	[sflag:s4] =	ssyncset.s32 $0xFFFFF086  }
0x25: {  	[simem:s6], [sflag:s4] =	dma.local [hbm:s3], $0xF7A  }
0x26: {  	[smem:$0x3F9F] =	sst s1;
	(tag) =	ssettag s2;
	_ =	strace s9  }
0x27: {  	s1 =	sld [smem:$0x3FAF]  }
0x28: {  	s2 =	sld [smem:$0x3FB0]  }
0x29: {  	s4 =	sld [smem:$0x3FB2]  }
0x2a: {  	p0 =	seq.s32 s5, $0x0;
	s5 =	sld [smem:$0x3FB3]  }
0x2b: {  	s6 =	sld [smem:$0x3FB4]  }
0x2c: {  	s7 =	sld [smem:$0x3FB5]  }
0x2d: {  	s3 =	simm.s32 $0x108;
	s8 =	sld [smem:$0x3FB6]  }
0x2e: {  	s3 =	simm.s32 @!p0 $0x1082;
	s9 =	sld [smem:$0x3FB7]  }
0x2f: {  	lr =	sadd.s32 s0, s3;
	s0 =	sld [smem:$0x3FAE]  }
0x30: {  	s3 =	sld [smem:$0x3FB1]  }
0x31: {  	[smem:$0x3FBA] =	sst s10  }
0x32: {  	s10 =	sld [smem:$0x3FB8];
	_ =	sdelay $0x3  }
0x33: {  	p0 =	seq.s32 s10, $0x1;
	s10 =	sld [smem:$0x3FBA];
	_ =	sdelay $0x3  }
0x34: {  	[smem:$0x3FBA] =	sst s10  }
0x35: {  	s10 =	sld [smem:$0x3FB9];
	_ =	sdelay $0x3  }
0x36: {  	p1 =	seq.s32 s10, $0x1;
	s10 =	sld [smem:$0x3FBA];
	_ =	sdelay $0x3  }
0x37: {  	[smem:$0x3FBA] =	sst s10  }
0x38: {  	s10 =	sld [smem:$0x3FBB]  }
0x39: {  	_ = 	snop;
	(pc) =	sbr.ind lr, $3  }
0x3a: {  	_ = 	snop  }
0x3b: {  	_ = 	snop  }
0x3c: {  	p2 =	seq.s32 s10, $0x1;
	s10 =	sld [smem:$0x3FBA]  }
0x3d: {  	_ =	shalt  }
0x3e: {  	_ =	shalt  }
0x3f: {  	_ =	shalt  }
0x40: {  	_ =	shalt  }
0x41: {  	_ =	shalt  }
0x42: {  	_ =	shalt  }
0x43: {  	_ =	shalt  }
0x44: {  	_ =	shalt  }
0x45: {  	_ =	shalt  }
0x46: {  	_ =	shalt  }
0x47: {  	_ =	shalt  }
0x48: {  	_ =	shalt  }
0x49: {  	_ =	shalt  }
0x4a: {  	_ =	shalt  }
0x4b: {  	_ =	shalt  }
0x4c: {  	_ =	shalt  }
0x4d: {  	_ =	shalt  }
0x4e: {  	_ =	shalt  }
0x4f: {  	_ =	shalt  }
0x50: {  	_ =	shalt  }
0x51: {  	_ =	shalt  }
0x52: {  	_ =	shalt  }
0x53: {  	_ =	shalt  }
0x54: {  	_ =	shalt  }
0x55: {  	_ =	shalt  }
0x56: {  	_ =	shalt  }
0x57: {  	_ =	shalt  }
0x58: {  	_ =	shalt  }
0x59: {  	_ =	shalt  }
0x5a: {  	_ =	shalt  }
0x5b: {  	_ =	shalt  }
0x5c: {  	_ =	shalt  }
0x5d: {  	_ =	shalt  }
0x5e: {  	_ =	shalt  }
0x5f: {  	_ =	shalt  }
0x60: {  	_ =	shalt  }
0x61: {  	_ =	shalt  }
0x62: {  	_ =	shalt  }
0x63: {  	_ =	shalt  }
0x64: {  	_ =	shalt  }
0x65: {  	_ =	shalt  }
0x66: {  	_ =	shalt  }
0x67: {  	_ =	shalt  }
0x68: {  	_ =	shalt  }
0x69: {  	_ =	shalt  }
0x6a: {  	_ =	shalt  }
0x6b: {  	_ =	shalt  }
0x6c: {  	_ =	shalt  }
0x6d: {  	_ =	shalt  }
0x6e: {  	_ =	shalt  }
0x6f: {  	_ =	shalt  }
0x70: {  	_ =	shalt  }
0x71: {  	_ =	shalt  }
0x72: {  	_ =	shalt  }
0x73: {  	_ =	shalt  }
0x74: {  	_ =	shalt  }
0x75: {  	_ =	shalt  }
0x76: {  	_ =	shalt  }
0x77: {  	_ =	shalt  }
0x78: {  	_ =	shalt  }
0x79: {  	_ =	shalt  }
0x7a: {  	_ =	shalt  }
0x7b: {  	_ =	shalt  }
0x7c: {  	_ =	shalt  }
0x7d: {  	_ =	shalt  }
0x7e: {  	_ =	shalt  }
0x7f: {  	_ =	shalt  }
0x80: {  	_ =	shalt  }
0x81: {  	_ =	shalt  }
0x82: {  	_ =	shalt  }
0x83: {  	_ =	shalt  }
0x84: {  	_ =	shalt  }
0x85: {  	_ =	shalt  }
0x86: {  	_ =	shalt  }
0x87: {  	_ =	shalt  }
.Lfunc_end0:
.L_simem_size_0:
called_computation_lowered:
.L_overlay_start_0:
0x88: {  	s2 =	sld [smem:$0x3FD9]  }
0x89: {  	s3 =	sld [smem:$0x3FFE];
	_ =	sdelay $0x1  }
0x8a: {  	s1 =	srdreg.scid  }
0x8b: {  	s0 =	sand.u32 $0x1, s1  }
0x8c: {  	s18 =	sshll.u32 s0, $0xA;
	s2 =	sadd.s32 s3, s2  }
0x8d: {  	s2 =	sadd.s32 s2, s18  }
0x8e: {  	[smem:$0x3FC6] =	sst s2  }
0x8f: {  	_ = 	snop  }
0x90: {  	s2 =	sld [smem:$0x3FC9]  }
0x91: {  	s19 =	sld [smem:$0x3FC8]  }
0x92: {  	s4 =	sld [smem:$0x3FD0];
	(tm) =	ssettm $0x1  }
0x93: {  	s5 =	sld [smem:$0x3FFB];
	_ =	sdelay $0x3  }
0x94: {  	_ =	strace s5  }
0x95: {  	s5 =	sld [smem:$0x3FFC];
	_ =	sdelay $0x3  }
0x96: {  	_ =	strace s5  }
0x97: {  	s5 =	sld [smem:$0x3FFD];
	_ =	sdelay $0x3  }
0x98: {  	_ =	strace s5  }
0x99: {  	_ =	strace $0x8FFFFFFF  }
0x9a: {  	s20 =	sld [smem:$0x3FDB];
	_ =	sdelay $0x1  }
0x9b: {  	s6 =	simm.s32 $_scs_section_size  }
0x9c: {  	s7 =	simm.s32 $_size__tile_overlayer_lowered;
	s8 =	simm.s32 $_tile_overlayer_lowered  }
0x9d: {  	s23 =	simm.s32 $0x1BFF;
	s22 =	sshll.u32 s8, $0x1;
	s5 =	sadd.s32 s6, s20  }
0x9e: {  	s9 =	simm.s32 $0x0;
	s21 =	sshll.u32 s7, $0x1;
	s7 =	sadd.s32 s22, s5  }
0x9f: {  	[timem:s9], [sflag:s23] =	dma.local [hbm:s7], s21  }
0xa0: {  	_ =	swait.ge [sflag:s23], s21  }
0xa1: {  	s6 =	ssub.s32 $0x0, s21;
	[sflag:s23] =	ssyncset.done $0x0  }
0xa2: {  	[sflag:s23] =	ssyncadd.s32 s6;
	_ =	sdelay $0x1  }
0xa3: {  	s24 =	simm.s32 $0x1B8B  }
0xa4: {  	_ =	swait.ge [sflag:s24], $0x1  }
0xa5: {  	[sflag:s24] =	ssyncset.done $0x0  }
0xa6: {  	s25 =	simm.s32 $0x1B8E;
	[sflag:s24] =	ssyncadd.s32 $0xFFFFFFFF  }
0xa7: {  	s26 =	simm.s32 $execute0_lowered;
	[smem:$0x3FD2] =	sst s25  }
0xa8: {  	s6 =	sshll.u32 s26, $0x1;
	_ =	strace $0x80000046;
	[dreg:$0x1] =	wrdreg $0xFFFFFFFF  }
0xa9: {  	s28 =	simm.s32 $_size_execute0_lowered;
	s5 =	sadd.s32 s5, s6;
	[dreg:$0x0] =	wrdreg $0x0  }
0xaa: {  	s6 =	sshll.u32 s28, $0x1;
	[dreg:$0x2] =	wrdreg s5  }
0xab: {  	[dreg:$0x3] =	wrdreg s6  }
0xac: {  	[dreg:$0x4] =	wrdreg $0xC0  }
0xad: {  	_ =	task [dreg:s9], $0x5FFFF  }
0xae: {  	[dreg:$0x1] =	wrdreg $0xFFFFFFFF  }
0xaf: {  	[dreg:$0x0] =	wrdreg $0x60  }
0xb0: {  	[dreg:$0x2] =	wrdreg s19  }
0xb1: {  	[dreg:$0x3] =	wrdreg s2  }
0xb2: {  	[dreg:$0x4] =	wrdreg s4  }
0xb3: {  	[dreg:$0x5] =	wrdreg $0x9  }
0xb4: {  	_ =	task.clear_ibuf [dreg:s9], $0x6FFFF;
	_ =	strace $0x90000046  }
0xb5: {  	s29 =	simm.s32 $0x9;
	_ =	strace $0x80000048  }
0xb6: {  	_ =	swait.ge [sflag:s29], $0x1  }
0xb7: {  	[sflag:s29] =	ssyncadd.s32 $0xFFFFFFFF  }
0xb8: {  	_ =	strace $0x90000048  }
0xb9: {  	_ =	sfence  }
0xba: {  	s30 =	sld [smem:$0x0];
	_ =	sdelay $0x2  }
0xbb: {  	s31 =	sshll.u32 s1, $0xD;
	s1 =	sshrl.u32 s1, $0x2  }
0xbc: {  	s3 =	sand.u32 $0x4000, s31;
	s1 =	sadd.s32 s1, s30  }
0xbd: {  	s0 =	sor.u32 s3, s0;
	s1 =	sshll.u32 s1, $0x11  }
0xbe: {  	s0 =	sor.u32 s1, s0  }
0xbf: {  	s0 =	sadd.s32 $0x8F2B, s0  }
0xc0: {  	[sflag:s0] =	ssyncadd.remote.s32 $0x1  }
0xc1: {  	_ =	sfence.sel $0xFFFF  }
0xc2: {  	[dreg:$0x0] =	wrdreg $0xFFFFFFFF;
	(pc) =	sbr.abs _section_cstart, $3  }
0xc3: {  	[dreg:$0x1] =	wrdreg $0xFFFFFFFF  }
0xc4: {  	_ =	task.clear_ibuf [dreg:s9], $0x2FFFF;
	_ =	strace $0x9FFFFFFF  }
0xc5: {  	(tm) =	ssettm $0x7FFFFFFF  }
tec
execute0_lowered:
.L_overlay_start_1:
0x0: {  	(tag) =	ssettag $0x1  }
0x1: {  	s1 =	rddreg [dreg:$0x0]  }
0x2: {  	s4 =	rddreg [dreg:$0x1]  }
0x3: {  	s5 =	rddreg [dreg:$0x2]  }
0x4: {  	s0 =	rddreg [dreg:$0x3];
	s3 =	simm.s32 $0x0;
	s6 =	srdreg.scid  }
0x5: {  	s2 =	stileid.u32;
	s13 =	simm.s32 $0x400;
	s14 =	simm.s32 $0x2  }
0x6: {  	s15 =	simm.s32 $0x1;
	s16 =	simm.s32 $0x600;
	s17 =	simm.s32 $0x800  }
0x7: {  	s18 =	simm.s32 $0xA00;
	s19 =	simm.s32 $0xC00;
	s20 =	simm.s32 $0xE00  }
0x8: {  	s21 =	simm.s32 $0x1000;
	s22 =	simm.s32 $0x1200;
	s6 =	sand.u32 $0x1, s6  }
0x9: {  	s8 =	sshll.u32 s2, $0x7;
	s7 =	ssub.s32 $0x2, s6;
	s6 =	sshll.u32 s6, $0x6  }
0xa: {  	s23 =	simm.s32 $0x0;
	[smem:$0x7FF] =	sst s3;
	s6 =	sor.u32 s6, s8  }
0xb: {  	_ =	strace $0x80000047;
	s9 =	sshrl.u32 s7, $0x1;
	s5 =	sadd.s32 s5, s6  }
0xc: {  	s12 =	ssub.s32 s7, s9;
	s4 =	sadd.s32 s4, s6;
	s6 =	sadd.s32 $0x800, s5  }
0xd: {  	s7 =	sadd.s32 $0x1000, s5;
	s8 =	sadd.s32 $0x1800, s5;
	s9 =	sadd.s32 $0x2000, s5  }
0xe: {  	s10 =	sadd.s32 $0x2800, s5;
	s11 =	sadd.s32 $0x3000, s5;
	s12 =	smax.u32 s12, $0x1  }
.LBB2_1:
0xf: {  	[tilespmem:s3], [sflag:$0x1] =	stream.linear.gather [hbm4b:s1+s3], $0x300, $0x38;
	[tilespmem:$0x1400] =	vst v63  }
0x10: {  	_ = 	snop  }
0x11: {  	[tilespmem:s13], [sflag:$0x2] =	stream.linear.gather [hbm4b:s4+s3], $0x200, $0x38;
	[tilespmem:$0x1400] =	vst v63  }
0x12: {  	_ =	swait.ge [sflag:s14], $0x200  }
0x13: {  	[sflag:s14] =	ssyncset.done $0x0  }
0x14: {  	[sflag:s14] =	ssyncadd.s32 $0xFFFFFE00  }
0x15: {  	_ =	swait.ge [sflag:s15], $0x300  }
0x16: {  	s24 =	simm.s32 $0x410;
	[sflag:s15] =	ssyncset.done $0x0  }
0x17: {  	s25 =	simm.s32 $0xC10;
	s26 =	simm.s32 $0x0;
	[sflag:s15] =	ssyncadd.s32 $0xFFFFFD00  }
.LBB2_2:
0x18: {  	v0 =	vld [tilespmem:s24+$0xFFFFFFF0];
	_ =	sdelay $0x4  }
0x19: {  	v0 =	vshll.u32 v0, $0x7;
	_ =	sdelay $0x4  }
0x1a: {  	v1 =	vld.idx.msk [tilespmem:v0+s3+$0x0], $0xffff  }
0x1b: {  	v2 =	vor.u32 $0x1, v0;
	_ =	sdelay $0x3  }
0x1c: {  	[tilespmem:s25+$0xFFFFF9F0] =	vst v1  }
0x1d: {  	v1 =	vld.idx.msk [tilespmem:v2+s3+$0x0], $0xffff  }
0x1e: {  	v55 =	vor.u32 $0x2, v0;
	_ =	sdelay $0x2  }
0x1f: {  	s28 =	sand.u32 $0x1E0, s26  }
0x20: {  	[tilespmem:s28+$0x800] =	vst v1  }
0x21: {  	v1 =	vld.idx.msk [tilespmem:v55+s3+$0x0], $0xffff  }
0x22: {  	v56 =	vor.u32 $0x3, v0;
	_ =	sdelay $0x3  }
0x23: {  	[tilespmem:s28+$0xA00] =	vst v1  }
0x24: {  	v1 =	vld.idx.msk [tilespmem:v56+s3+$0x0], $0xffff  }
0x25: {  	v57 =	vor.u32 $0x4, v0;
	_ =	sdelay $0x3  }
0x26: {  	[tilespmem:s28+$0xC00] =	vst v1  }
0x27: {  	v1 =	vld.idx.msk [tilespmem:v57+s3+$0x0], $0xffff  }
0x28: {  	v58 =	vor.u32 $0x5, v0;
	_ =	sdelay $0x3  }
0x29: {  	[tilespmem:s28+$0xE00] =	vst v1  }
0x2a: {  	v1 =	vld.idx.msk [tilespmem:v58+s3+$0x0], $0xffff  }
0x2b: {  	v0 =	vor.u32 $0x6, v0;
	_ =	sdelay $0x3  }
0x2c: {  	[tilespmem:s28+$0x1000] =	vst v1  }
0x2d: {  	v0 =	vld.idx.msk [tilespmem:v0+s3+$0x0], $0xffff;
	_ =	sdelay $0x4  }
0x2e: {  	[tilespmem:s28+$0x1200] =	vst v0  }
0x2f: {  	v0 =	vld [tilespmem:s24+$0x0];
	_ =	sdelay $0x4  }
0x30: {  	v0 =	vshll.u32 v0, $0x7;
	_ =	sdelay $0x4  }
0x31: {  	v1 =	vld.idx.msk [tilespmem:v0+s3+$0x0], $0xffff  }
0x32: {  	v59 =	vor.u32 $0x1, v0;
	_ =	sdelay $0x3  }
0x33: {  	[tilespmem:s25+$0xFFFFFA00] =	vst v1  }
0x34: {  	v1 =	vld.idx.msk [tilespmem:v59+s3+$0x0], $0xffff  }
0x35: {  	v60 =	vor.u32 $0x2, v0;
	_ =	sdelay $0x3  }
0x36: {  	[tilespmem:s25+$0xFFFFFC00] =	vst v1  }
0x37: {  	v1 =	vld.idx.msk [tilespmem:v60+s3+$0x0], $0xffff  }
0x38: {  	v61 =	vor.u32 $0x3, v0;
	_ =	sdelay $0x3  }
0x39: {  	[tilespmem:s25+$0xFFFFFE00] =	vst v1  }
0x3a: {  	v1 =	vld.idx.msk [tilespmem:v61+s3+$0x0], $0xffff  }
0x3b: {  	v62 =	vor.u32 $0x4, v0;
	_ =	sdelay $0x3  }
0x3c: {  	[tilespmem:s25+$0x0] =	vst v1  }
0x3d: {  	v1 =	vld.idx.msk [tilespmem:v62+s3+$0x0], $0xffff  }
0x3e: {  	v63 =	vor.u32 $0x5, v0;
	_ =	sdelay $0x3  }
0x3f: {  	[tilespmem:s25+$0x200] =	vst v1  }
0x40: {  	v1 =	vld.idx.msk [tilespmem:v63+s3+$0x0], $0xffff  }
0x41: {  	v0 =	vor.u32 $0x6, v0;
	_ =	sdelay $0x3  }
0x42: {  	[tilespmem:s25+$0x400] =	vst v1  }
0x43: {  	p0 =	sne.s32 s26, $0x1E0;
	v0 =	vld.idx.msk [tilespmem:v0+s3+$0x0], $0xffff  }
.Ltmp0:
0x44: {  	_ = 	snop;
	(pc) =	sbr.rel @p0 .LBB2_2-.Ltmp0, $2  }
0x45: {  	_ =	sdelay $0x2  }
0x46: {  	s26 =	sadd.s32 $0x20, s26;
	s24 =	sadd.s32 $0x20, s24;
	[tilespmem:s25+$0x600] =	vst v0;
	s25 =	sadd.s32 $0x20, s25  }
0x47: {  	[hbm4b:s5+s3] =	stream.linear.scatter [tilespmem:s16], [sflag:$0x1], $0x200, $0x38;
	[tilespmem:$0x1400] =	vst v63  }
0x48: {  	_ = 	snop  }
0x49: {  	[hbm4b:s6+s3] =	stream.linear.scatter [tilespmem:s17], [sflag:$0x1], $0x200, $0x38;
	[tilespmem:$0x1400] =	vst v63  }
0x4a: {  	_ = 	snop  }
0x4b: {  	[hbm4b:s7+s3] =	stream.linear.scatter [tilespmem:s18], [sflag:$0x1], $0x200, $0x38;
	[tilespmem:$0x1400] =	vst v63  }
0x4c: {  	_ = 	snop  }
0x4d: {  	[hbm4b:s8+s3] =	stream.linear.scatter [tilespmem:s19], [sflag:$0x1], $0x200, $0x38;
	[tilespmem:$0x1400] =	vst v63  }
0x4e: {  	_ = 	snop  }
0x4f: {  	[hbm4b:s9+s3] =	stream.linear.scatter [tilespmem:s20], [sflag:$0x1], $0x200, $0x38;
	[tilespmem:$0x1400] =	vst v63  }
0x50: {  	_ = 	snop  }
0x51: {  	[hbm4b:s10+s3] =	stream.linear.scatter [tilespmem:s21], [sflag:$0x1], $0x200, $0x38;
	[tilespmem:$0x1400] =	vst v63  }
0x52: {  	_ = 	snop  }
0x53: {  	[hbm4b:s11+s3] =	stream.linear.scatter [tilespmem:s22], [sflag:$0x1], $0x200, $0x38;
	[tilespmem:$0x1400] =	vst v63  }
0x54: {  	_ =	swait.ge [sflag:s15], $0x200  }
0x55: {  	[sflag:s15] =	ssyncset.done $0x0  }
0x56: {  	[sflag:s15] =	ssyncadd.s32 $0xFFFFFE00  }
0x57: {  	_ =	swait.ge [sflag:s15], $0x200  }
0x58: {  	[sflag:s15] =	ssyncset.done $0x0  }
0x59: {  	[sflag:s15] =	ssyncadd.s32 $0xFFFFFE00  }
0x5a: {  	_ =	swait.ge [sflag:s15], $0x200  }
0x5b: {  	[sflag:s15] =	ssyncset.done $0x0  }
0x5c: {  	[sflag:s15] =	ssyncadd.s32 $0xFFFFFE00  }
0x5d: {  	_ =	swait.ge [sflag:s15], $0x200  }
0x5e: {  	[sflag:s15] =	ssyncset.done $0x0  }
0x5f: {  	[sflag:s15] =	ssyncadd.s32 $0xFFFFFE00  }
0x60: {  	_ =	swait.ge [sflag:s15], $0x200  }
0x61: {  	[sflag:s15] =	ssyncset.done $0x0  }
0x62: {  	s23 =	sadd.s32 $0x1, s23;
	[sflag:s15] =	ssyncadd.s32 $0xFFFFFE00  }
0x63: {  	p0 =	sne.s32 s23, s12;
	_ =	swait.ge [sflag:s15], $0x200  }
.Ltmp1:
0x64: {  	[sflag:s15] =	ssyncset.done $0x0;
	(pc) =	sbr.rel @p0 .LBB2_1-.Ltmp1, $4  }
0x65: {  	[sflag:s15] =	ssyncadd.s32 $0xFFFFFE00  }
0x66: {  	_ =	swait.ge [sflag:s15], $0x200  }
0x67: {  	[sflag:s15] =	ssyncset.done $0x0  }
0x68: {  	[sflag:s15] =	ssyncadd.s32 $0xFFFFFE00  }
0x69: {  	_ =	sfence.sel $0x180000  }
0x6a: {  	[bflag:$0x0] =	sbarrier.arrive $0xFFFF  }
0x6b: {  	p0 =	sne.s32 s2, $0x0;
	_ =	strace $0x90000047  }
0x6c: {  	s0 =	sadd.s32 @!p0 $0x100000, s0;
	[bflag:$0x2] =	sbarrier.arrive $0xFFFF  }
0x6d: {  	[sflag:s0] =	ssyncadd.tile.s32 @!p0 $0x1;
	_ =	shalt  }
.Lfunc_end2:
_tile_overlayer_lowered:
.L_overlay_start_2:
0x6e: {  	(tag) =	ssettag $0x2  }
0x6f: {  	s0 =	rddreg [dreg:$0x0];
	s2 =	stileid.u32  }
0x70: {  	s1 =	rddreg [dreg:$0x1];
	p0 =	sne.s32 s2, $0x0  }
0x71: {  	s3 =	rddreg [dreg:$0x2];
	[bflag:$0x3] =	sbarrier.arrive $0xFFFF;
	s2 =	simm.s32 @!p0 $0x1C03  }
0x72: {  	[timem:s3], [sflag:s2] =	dma.local @!p0 [hbm:s0], s1  }
0x73: {  	s0 =	simm.s32 @!p0 $0x3  }
0x74: {  	_ =	swait.ge @!p0 [sflag:s0], s1  }
0x75: {  	s1 =	ssub.s32 @!p0 $0x0, s1;
	[sflag:s0] =	ssyncset.done @!p0 $0x0  }
0x76: {  	[sflag:s0] =	ssyncadd.s32 @!p0 s1  }
0x77: {  	[bflag:$0x3] =	sbarrier.arrive $0xFFFF  }
0x78: {  	_ =	shalt  }

</sc_bundles>
